<compile_context>
chip_gen: v7x
topology: tpu7x:2x2x1
jax: 0.10.2.dev20260603
libtpu: 0.0.44.dev20260713+nightly
codegen_flags: <defaults>
</compile_context>

<pallas_src>
import functools

import jax
import jax.numpy as jnp
from jax import lax
from jax.experimental import pallas as pl
from jax.experimental.pallas import tpu as pltpu
from jax.experimental.pallas import tpu_sc as plsc

VOCAB = 1000000
DIM = 32
N_NODES = 100000

_BR = 4096
_BC = 4 * _BR
_NBLK = -(-VOCAB // _BC)
_NFULL = VOCAB // _BC
_PROWS = _NBLK * _BR

_info = plsc.get_sparse_core_info()
_NC, _NS = _info.num_cores, _info.num_subcores
_NW = _NC * _NS

_B_PER_W = ((N_NODES + _NW - 1) // _NW + 31) // 32 * 32
_B_LAST = N_NODES - (_NW - 1) * _B_PER_W
_OROWS = (_NW // 4) * _B_PER_W
_FBLK = 4 * _B_PER_W


def _tc_repack(b0_ref, b1_ref, b2_ref, b3_ref, t0_ref, t1_ref, t2_ref,
               t3_ref, out_ref):
    i = pl.program_id(0)

    @pl.when(i < _NFULL)
    def _main():
        out_ref[...] = jnp.concatenate(
            [b0_ref[...], b1_ref[...], b2_ref[...], b3_ref[...]], axis=0).T

    @pl.when(i == _NFULL)
    def _tail():
        out_ref[...] = jnp.concatenate(
            [t0_ref[...], t1_ref[...], t2_ref[...], t3_ref[...]], axis=0).T


_repack = pl.pallas_call(
    _tc_repack,
    grid=(_NBLK,),
    in_specs=[
        pl.BlockSpec(
            (DIM, _BR),
            functools.partial(
                lambda s, i: (0, jnp.where(i < _NFULL, 4 * i + s, 0)), s))
        for s in range(4)
    ] + [
        pl.BlockSpec(
            (DIM, _BR),
            functools.partial(
                lambda s, i: (0, jnp.where(i < _NFULL, 0, s)), s))
        for s in range(4)
    ],
    out_specs=pl.BlockSpec((_BR, 128), lambda i: (i, 0)),
    out_shape=jax.ShapeDtypeStruct((_PROWS, 128), jnp.float32),
)


def _make_sc_gather():
    mesh = plsc.VectorSubcoreMesh(core_axis_name="c", subcore_axis_name="s")

    @functools.partial(
        pl.kernel,
        mesh=mesh,
        out_type=jax.ShapeDtypeStruct((_OROWS, 128), jnp.float32),
        scratch_types=[
            pltpu.VMEM((_B_PER_W,), jnp.int32),
            pltpu.VMEM((_B_PER_W,), jnp.int32),
            pltpu.VMEM((_B_PER_W, DIM), jnp.float32),
            pltpu.SemaphoreType.DMA,
        ],
        compiler_params=pltpu.CompilerParams(use_tc_tiling_on_sc=False),
    )
    def sc_gather(packed_hbm, idx_hbm, out_hbm, idx_v, row_v, rows_v, sem):
        wid = lax.axis_index("s") * _NC + lax.axis_index("c")
        base = wid * _B_PER_W
        obase = (wid // 4) * _B_PER_W
        ocol = (wid % 4) * 32

        def do_slice(n):
            pltpu.sync_copy(idx_hbm.at[pl.ds(base, n)], idx_v.at[pl.ds(0, n)])

            @pl.loop(0, -(-n // 16))
            def _rows(i):
                off = jnp.minimum(i * 16, n - 16)
                t = idx_v[pl.ds(off, 16)]
                row_v[pl.ds(off, 16)] = (((t >> 14) << 14) + ((t & 4095) << 2)
                                         + ((t >> 12) & 3))

            pltpu.async_copy(packed_hbm.at[row_v.at[pl.ds(0, n)]],
                             rows_v.at[pl.ds(0, n)], sem).wait()
            pltpu.sync_copy(rows_v.at[pl.ds(0, n)],
                            out_hbm.at[pl.ds(obase, n), pl.ds(ocol, DIM)])

        @pl.when(wid < _NW - 1)
        def _full():
            do_slice(_B_PER_W)

        @pl.when(wid == _NW - 1)
        def _last():
            do_slice(_B_LAST)

    return sc_gather


_sc_gather = _make_sc_gather()


def _tc_finish(in_ref, out_ref):
    xt = in_ref[...].T
    out_ref[...] = jnp.concatenate(
        [xt[32 * s:32 * (s + 1), :] for s in range(4)], axis=1)


_finish = pl.pallas_call(
    _tc_finish,
    grid=(_NW // 4,),
    in_specs=[pl.BlockSpec((_B_PER_W, 128), lambda i: (i, 0))],
    out_specs=pl.BlockSpec((DIM, _FBLK), lambda i: (0, i)),
    out_shape=jax.ShapeDtypeStruct((DIM, N_NODES), jnp.float32),
)


def kernel(token_id, table):
    tt = table.T
    tail_tt = jnp.pad(tt[:, _NFULL * _BC:], ((0, 0), (0, (_NFULL + 1) * _BC - VOCAB)))
    packed = _repack(tt, tt, tt, tt, tail_tt, tail_tt, tail_tt, tail_tt)
    packed32 = packed.reshape(_PROWS * 4, DIM)
    outb = _sc_gather(packed32, token_id)
    out_t = _finish(outb)
    return out_t.T

# --- scband reference (transcript-rebuilt; emitter-appended) ---
"""Pipeline reference for scband-token-embedding-29386166239564 (READ-ONLY COPY).

The authoritative reference and input builder live on the scoring server;
editing this copy changes nothing except your own understanding.
"""

import jax, jax.numpy as jnp
import numpy as np

VOCAB = 1000000
DIM = 32
N_NODES = 100000

def setup_inputs(seed: int = 0) -> dict:
    key = jax.random.key(seed)
    k_idx, k_tab = jax.random.split(key)
    token_id = jax.random.randint(k_idx, (N_NODES,), 0, VOCAB, dtype=jnp.int64 if jax.config.read('jax_enable_x64') else jnp.int32)
    # embedding table (nn.Embedding weight), default init ~ N(0,1)
    table = jax.random.normal(k_tab, (VOCAB, DIM), dtype=jnp.float32)
    return {"token_id": token_id, "table": table}

def reference(token_id, table):
    # graph.ndata['token_embeds'] = self.embedding(graph.ndata['token_id'])
    # The meaningful computation is the embedding gather; we return the
    # node embedding tensor that gets attached to the graph.
    token_embeds = jnp.take(table, token_id, axis=0)
    return token_embeds

if __name__ == "__main__":
    import jax
    _d = setup_inputs()
    print(jax.jit(kernel)(*tuple(_d.values())))

</pallas_src>

<mosaic_0001>
#map = affine_map<(d0, d1) -> (0, 0)>
#map1 = affine_map<(d0, d1) -> (0)>
module attributes {stable_mosaic.version = 14 : i64} {
  func.func @sc_gather(%arg0: i32, %arg1: i32, %arg2: memref<1015808x32xf32, #tpu.memory_space<hbm>>, %arg3: memref<100000xi32, #tpu.memory_space<hbm>>, %arg4: memref<25088x128xf32, #tpu.memory_space<hbm>>, %arg5: memref<3136xi32, #tpu.memory_space<vmem>>, %arg6: memref<3136xi32, #tpu.memory_space<vmem>>, %arg7: memref<3136x32xf32, #tpu.memory_space<vmem>>, %arg8: memref<!tpu.dma_semaphore, #tpu.memory_space<semaphore_mem>>) attributes {dimension_semantics = [#tpu.dimension_semantics<core_parallel>, #tpu.dimension_semantics<subcore_parallel>], iteration_bounds = array<i64: 2, 16>, scalar_prefetch = 0 : i64, scratch_operands = 4 : i64, tpu.core_type = #tpu.core_type<sc_vector_subcore>, window_params = [{transform_indices = #map}, {transform_indices = #map1}, {transform_indices = #map}]} {
    %mul3A = arith.constant 2 : i32
    %mul3A_0 = arith.muli %arg1, %mul3A : i32
    %add3A = arith.addi %mul3A_0, %arg0 : i32
    %mul3A_1 = arith.constant 3136 : i32
    %mul3A_2 = arith.muli %add3A, %mul3A_1 : i32
    %jit3A = arith.constant 4 : i32
    %div3A = arith.divsi %add3A, %jit3A : i32
    %sign3A = arith.constant 0 : i32
    %sign3A_3 = arith.cmpi sgt, %add3A, %sign3A : i32
    %sign3A_4 = arith.extui %sign3A_3 : i1 to i32
    %sign3A_5 = arith.constant 0 : i32
    %sign3A_6 = arith.cmpi slt, %add3A, %sign3A_5 : i32
    %sign3A_7 = arith.extui %sign3A_6 : i1 to i32
    %sign3A_8 = arith.subi %sign3A_4, %sign3A_7 : i32
    %sign3A_9 = arith.constant 0 : i32
    %sign3A_10 = arith.cmpi sgt, %jit3A, %sign3A_9 : i32
    %sign3A_11 = arith.extui %sign3A_10 : i1 to i32
    %sign3A_12 = arith.constant 0 : i32
    %sign3A_13 = arith.cmpi slt, %jit3A, %sign3A_12 : i32
    %sign3A_14 = arith.extui %sign3A_13 : i1 to i32
    %sign3A_15 = arith.subi %sign3A_11, %sign3A_14 : i32
    %ne3A = arith.cmpi ne, %sign3A_8, %sign3A_15 : i32
    %rem3A = arith.remsi %add3A, %jit3A : i32
    %ne3A_16 = arith.constant 0 : i32
    %ne3A_17 = arith.cmpi ne, %rem3A, %ne3A_16 : i32
    %and3A = arith.andi %ne3A, %ne3A_17 : i1
    %sub3A = arith.constant 1 : i32
    %sub3A_18 = arith.subi %div3A, %sub3A : i32
    %select_n3A = arith.select %and3A, %sub3A_18, %div3A : i32
    %mul3A_19 = arith.constant 3136 : i32
    %mul3A_20 = arith.muli %select_n3A, %mul3A_19 : i32
    %jit3A_21 = arith.constant 4 : i32
    %eq3A = arith.constant 0 : i32
    %eq3A_22 = arith.cmpi eq, %jit3A_21, %eq3A : i32
    %jit3A_23 = arith.constant 1 : i32
    %select_n3A_24 = arith.select %eq3A_22, %jit3A_23, %jit3A_21 : i32
    %rem3A_25 = arith.remsi %add3A, %select_n3A_24 : i32
    %ne3A_26 = arith.constant 0 : i32
    %ne3A_27 = arith.cmpi ne, %rem3A_25, %ne3A_26 : i32
    %lt3A = arith.constant 0 : i32
    %lt3A_28 = arith.cmpi slt, %rem3A_25, %lt3A : i32
    %lt3A_29 = arith.constant 0 : i32
    %lt3A_30 = arith.cmpi slt, %select_n3A_24, %lt3A_29 : i32
    %ne3A_31 = arith.xori %lt3A_28, %lt3A_30 : i1
    %and3A_32 = arith.andi %ne3A_31, %ne3A_27 : i1
    %add3A_33 = arith.addi %rem3A_25, %select_n3A_24 : i32
    %select_n3A_34 = arith.select %and3A_32, %add3A_33, %rem3A_25 : i32
    %mul3A_35 = arith.constant 32 : i32
    %mul3A_36 = arith.muli %select_n3A_34, %mul3A_35 : i32
    %lt3A_37 = arith.constant 31 : i32
    %lt3A_38 = arith.cmpi slt, %add3A, %lt3A_37 : i32
    %convert_element_type3A = arith.extui %lt3A_38 : i1 to i32
    %cond3A = arith.constant 0 : i32
    %cond3A_39 = arith.cmpi ne, %convert_element_type3A, %cond3A : i32
    scf.if %cond3A_39 {
      "tpu.region"() ({
        %run_scoped3A = tpu.sem_alloc : memref<!tpu.dma_semaphore, #tpu.memory_space<semaphore_mem>>
        %dma_start3A_63 = arith.constant 0 : i32
        %dma_start3A_64 = tpu.memref_slice %arg5[%dma_start3A_63] : memref<3136xi32, #tpu.memory_space<vmem>> -> memref<3136xi32, #tpu.memory_space<vmem>>
        %dma_start3A_65 = tpu.memref_slice %arg3[%mul3A_2] : memref<100000xi32, #tpu.memory_space<hbm>> -> memref<3136xi32, #tpu.memory_space<hbm>>
        %dma_start3A_66 = arith.constant 0 : i32
        %dma_start3A_67 = tpu.memref_slice %arg5[%dma_start3A_66] : memref<3136xi32, #tpu.memory_space<vmem>> -> memref<3136xi32, #tpu.memory_space<vmem>>
        %dma_start3A_68 = tpu.memref_slice %arg3[%mul3A_2] : memref<100000xi32, #tpu.memory_space<hbm>> -> memref<3136xi32, #tpu.memory_space<hbm>>
        tpu.enqueue_dma source(%dma_start3A_68 : memref<3136xi32, #tpu.memory_space<hbm>>) target(%dma_start3A_67 : memref<3136xi32, #tpu.memory_space<vmem>>) target_semaphore(%run_scoped3A : memref<!tpu.dma_semaphore, #tpu.memory_space<semaphore_mem>>)
        %dma_wait3A_69 = arith.constant 0 : i32
        %dma_wait3A_70 = tpu.memref_slice %arg5[%dma_wait3A_69] : memref<3136xi32, #tpu.memory_space<vmem>> -> memref<3136xi32, #tpu.memory_space<vmem>>
        %dma_wait3A_71 = tpu.memref_slice %arg3[%mul3A_2] : memref<100000xi32, #tpu.memory_space<hbm>> -> memref<3136xi32, #tpu.memory_space<hbm>>
        %dma_wait3A_72 = arith.constant 0 : i32
        %dma_wait3A_73 = tpu.memref_slice %arg5[%dma_wait3A_72] : memref<3136xi32, #tpu.memory_space<vmem>> -> memref<3136xi32, #tpu.memory_space<vmem>>
        %dma_wait3A_74 = tpu.memref_slice %arg3[%mul3A_2] : memref<100000xi32, #tpu.memory_space<hbm>> -> memref<3136xi32, #tpu.memory_space<hbm>>
        tpu.wait_dma2 semaphore(%run_scoped3A : memref<!tpu.dma_semaphore, #tpu.memory_space<semaphore_mem>>) src(%dma_wait3A_74 : memref<3136xi32, #tpu.memory_space<hbm>>) dst(%dma_wait3A_73 : memref<3136xi32, #tpu.memory_space<vmem>>)
        tpu.yield
      }) : () -> ()
      %scan3A = arith.constant 0 : i32
      %scan3A_45 = arith.constant 196 : i32
      %scan3A_46 = arith.addi %scan3A, %scan3A_45 : i32
      %scan3A_47 = arith.constant 1 : i32
      scf.for %scan3A_63 = %scan3A to %scan3A_46 step %scan3A_47  : i32 {
        %mul3A_64 = arith.constant 1 : i32
        %mul3A_65 = arith.muli %scan3A_63, %mul3A_64 : i32
        %add3A_66 = arith.constant 0 : i32
        %add3A_67 = arith.addi %add3A_66, %mul3A_65 : i32
        %mul3A_68 = arith.constant 16 : i32
        %mul3A_69 = arith.muli %add3A_67, %mul3A_68 : i32
        %min3A = arith.constant 3120 : i32
        %min3A_70 = arith.minsi %mul3A_69, %min3A : i32
        %get3A = arith.index_cast %min3A_70 : i32 to index
        %get3A_71 = tpu.vector_load %arg5[%get3A] {strides = array<i32>} : memref<3136xi32, #tpu.memory_space<vmem>>, vector<16xi32>,
        %get3A_72 = vector.shape_cast %get3A_71 : vector<16xi32> to vector<16xi32>
        %shift_right_arithmetic3A = arith.constant 14 : i32
        %shift_right_arithmetic3A_73 = vector.broadcast %shift_right_arithmetic3A : i32 to vector<16xi32>
        %shift_right_arithmetic3A_74 = arith.shrsi %get3A_72, %shift_right_arithmetic3A_73 : vector<16xi32>
        %shift_left3A = arith.constant 14 : i32
        %shift_left3A_75 = vector.broadcast %shift_left3A : i32 to vector<16xi32>
        %shift_left3A_76 = arith.shli %shift_right_arithmetic3A_74, %shift_left3A_75 : vector<16xi32>
        %and3A_77 = arith.constant 4095 : i32
        %and3A_78 = vector.broadcast %and3A_77 : i32 to vector<16xi32>
        %and3A_79 = arith.andi %get3A_72, %and3A_78 : vector<16xi32>
        %shift_left3A_80 = arith.constant 2 : i32
        %shift_left3A_81 = vector.broadcast %shift_left3A_80 : i32 to vector<16xi32>
        %shift_left3A_82 = arith.shli %and3A_79, %shift_left3A_81 : vector<16xi32>
        %add3A_83 = arith.addi %shift_left3A_76, %shift_left3A_82 : vector<16xi32>
        %shift_right_arithmetic3A_84 = arith.constant 12 : i32
        %shift_right_arithmetic3A_85 = vector.broadcast %shift_right_arithmetic3A_84 : i32 to vector<16xi32>
        %shift_right_arithmetic3A_86 = arith.shrsi %get3A_72, %shift_right_arithmetic3A_85 : vector<16xi32>
        %and3A_87 = arith.constant 3 : i32
        %and3A_88 = vector.broadcast %and3A_87 : i32 to vector<16xi32>
        %and3A_89 = arith.andi %shift_right_arithmetic3A_86, %and3A_88 : vector<16xi32>
        %add3A_90 = arith.addi %add3A_83, %and3A_89 : vector<16xi32>
        %swap3A = arith.index_cast %min3A_70 : i32 to index
        %swap3A_91 = tpu.vector_load %arg6[%swap3A] {strides = array<i32>} : memref<3136xi32, #tpu.memory_space<vmem>>, vector<16xi32>,
        %swap3A_92 = vector.shape_cast %swap3A_91 : vector<16xi32> to vector<16xi32>
        %swap3A_93 = vector.shape_cast %add3A_90 : vector<16xi32> to vector<16xi32>
        tpu.vector_store %arg6[%swap3A], %swap3A_93 {strides = array<i32>} : memref<3136xi32, #tpu.memory_space<vmem>>, vector<16xi32>,
      }
      %scan3A_48 = arith.constant 196 : i32
      %dma_start3A = arith.constant 0 : i32
      %dma_start3A_49 = arith.constant 0 : i32
      %dma_start3A_50 = tpu.memref_slice %arg7[%dma_start3A, %dma_start3A_49] : memref<3136x32xf32, #tpu.memory_space<vmem>> -> memref<3136x32xf32, #tpu.memory_space<vmem>>
      %dma_start3A_51 = arith.constant 0 : i32
      %dma_start3A_52 = tpu.memref_slice %arg6[%dma_start3A_51] : memref<3136xi32, #tpu.memory_space<vmem>> -> memref<3136xi32, #tpu.memory_space<vmem>>
      %dma_start3A_53 = arith.constant 0 : i32
      %dma_start3A_54 = arith.constant 0 : i32
      %dma_start3A_55 = tpu.memref_slice %arg2[%dma_start3A_53, %dma_start3A_54] : memref<1015808x32xf32, #tpu.memory_space<hbm>> -> memref<1015808x32xf32, #tpu.memory_space<hbm>>
      tpu.enqueue_indirect_dma source(%dma_start3A_55 : memref<1015808x32xf32, #tpu.memory_space<hbm>>) target(%dma_start3A_50 : memref<3136x32xf32, #tpu.memory_space<vmem>>) offsets(%dma_start3A_52 : memref<3136xi32, #tpu.memory_space<vmem>>) semaphore(%arg8 : memref<!tpu.dma_semaphore, #tpu.memory_space<semaphore_mem>>)
      %dma_wait3A = arith.constant 0 : i32
      %dma_wait3A_56 = arith.constant 0 : i32
      %dma_wait3A_57 = tpu.memref_slice %arg7[%dma_wait3A, %dma_wait3A_56] : memref<3136x32xf32, #tpu.memory_space<vmem>> -> memref<3136x32xf32, #tpu.memory_space<vmem>>
      %dma_wait3A_58 = arith.constant 0 : i32
      %dma_wait3A_59 = tpu.memref_slice %arg6[%dma_wait3A_58] : memref<3136xi32, #tpu.memory_space<vmem>> -> memref<3136xi32, #tpu.memory_space<vmem>>
      %dma_wait3A_60 = arith.constant 0 : i32
      %dma_wait3A_61 = arith.constant 0 : i32
      %dma_wait3A_62 = tpu.memref_slice %arg2[%dma_wait3A_60, %dma_wait3A_61] : memref<1015808x32xf32, #tpu.memory_space<hbm>> -> memref<1015808x32xf32, #tpu.memory_space<hbm>>
      tpu.wait_indirect_dma semaphore(%arg8 : memref<!tpu.dma_semaphore, #tpu.memory_space<semaphore_mem>>) src(%dma_wait3A_62 : memref<1015808x32xf32, #tpu.memory_space<hbm>>) dst(%dma_wait3A_57 : memref<3136x32xf32, #tpu.memory_space<vmem>>)
      "tpu.region"() ({
        %run_scoped3A = tpu.sem_alloc : memref<!tpu.dma_semaphore, #tpu.memory_space<semaphore_mem>>
        %dma_start3A_63 = arith.constant 0 : i32
        %dma_start3A_64 = arith.constant 0 : i32
        %dma_start3A_65 = tpu.memref_slice %arg7[%dma_start3A_63, %dma_start3A_64] : memref<3136x32xf32, #tpu.memory_space<vmem>> -> memref<3136x32xf32, #tpu.memory_space<vmem>>
        %dma_start3A_66 = tpu.memref_slice %arg4[%mul3A_20, %mul3A_36] : memref<25088x128xf32, #tpu.memory_space<hbm>> -> memref<3136x32xf32, #tpu.memory_space<hbm>>
        %dma_start3A_67 = tpu.memref_slice %arg4[%mul3A_20, %mul3A_36] : memref<25088x128xf32, #tpu.memory_space<hbm>> -> memref<3136x32xf32, #tpu.memory_space<hbm>>
        %dma_start3A_68 = arith.constant 0 : i32
        %dma_start3A_69 = arith.constant 0 : i32
        %dma_start3A_70 = tpu.memref_slice %arg7[%dma_start3A_68, %dma_start3A_69] : memref<3136x32xf32, #tpu.memory_space<vmem>> -> memref<3136x32xf32, #tpu.memory_space<vmem>>
        tpu.enqueue_dma source(%dma_start3A_70 : memref<3136x32xf32, #tpu.memory_space<vmem>>) target(%dma_start3A_67 : memref<3136x32xf32, #tpu.memory_space<hbm>>) target_semaphore(%run_scoped3A : memref<!tpu.dma_semaphore, #tpu.memory_space<semaphore_mem>>)
        %dma_wait3A_71 = arith.constant 0 : i32
        %dma_wait3A_72 = arith.constant 0 : i32
        %dma_wait3A_73 = tpu.memref_slice %arg7[%dma_wait3A_71, %dma_wait3A_72] : memref<3136x32xf32, #tpu.memory_space<vmem>> -> memref<3136x32xf32, #tpu.memory_space<vmem>>
        %dma_wait3A_74 = tpu.memref_slice %arg4[%mul3A_20, %mul3A_36] : memref<25088x128xf32, #tpu.memory_space<hbm>> -> memref<3136x32xf32, #tpu.memory_space<hbm>>
        %dma_wait3A_75 = tpu.memref_slice %arg4[%mul3A_20, %mul3A_36] : memref<25088x128xf32, #tpu.memory_space<hbm>> -> memref<3136x32xf32, #tpu.memory_space<hbm>>
        %dma_wait3A_76 = arith.constant 0 : i32
        %dma_wait3A_77 = arith.constant 0 : i32
        %dma_wait3A_78 = tpu.memref_slice %arg7[%dma_wait3A_76, %dma_wait3A_77] : memref<3136x32xf32, #tpu.memory_space<vmem>> -> memref<3136x32xf32, #tpu.memory_space<vmem>>
        tpu.wait_dma2 semaphore(%run_scoped3A : memref<!tpu.dma_semaphore, #tpu.memory_space<semaphore_mem>>) src(%dma_wait3A_78 : memref<3136x32xf32, #tpu.memory_space<vmem>>) dst(%dma_wait3A_75 : memref<3136x32xf32, #tpu.memory_space<hbm>>)
        tpu.yield
      }) : () -> ()
    } else {
    }
    %eq3A_40 = arith.constant 31 : i32
    %eq3A_41 = arith.cmpi eq, %add3A, %eq3A_40 : i32
    %convert_element_type3A_42 = arith.extui %eq3A_41 : i1 to i32
    %cond3A_43 = arith.constant 0 : i32
    %cond3A_44 = arith.cmpi ne, %convert_element_type3A_42, %cond3A_43 : i32
    scf.if %cond3A_44 {
      "tpu.region"() ({
        %run_scoped3A = tpu.sem_alloc : memref<!tpu.dma_semaphore, #tpu.memory_space<semaphore_mem>>
        %dma_start3A_63 = arith.constant 0 : i32
        %dma_start3A_64 = tpu.memref_slice %arg5[%dma_start3A_63] : memref<3136xi32, #tpu.memory_space<vmem>> -> memref<2784xi32, #tpu.memory_space<vmem>>
        %dma_start3A_65 = tpu.memref_slice %arg3[%mul3A_2] : memref<100000xi32, #tpu.memory_space<hbm>> -> memref<2784xi32, #tpu.memory_space<hbm>>
        %dma_start3A_66 = arith.constant 0 : i32
        %dma_start3A_67 = tpu.memref_slice %arg5[%dma_start3A_66] : memref<3136xi32, #tpu.memory_space<vmem>> -> memref<2784xi32, #tpu.memory_space<vmem>>
        %dma_start3A_68 = tpu.memref_slice %arg3[%mul3A_2] : memref<100000xi32, #tpu.memory_space<hbm>> -> memref<2784xi32, #tpu.memory_space<hbm>>
        tpu.enqueue_dma source(%dma_start3A_68 : memref<2784xi32, #tpu.memory_space<hbm>>) target(%dma_start3A_67 : memref<2784xi32, #tpu.memory_space<vmem>>) target_semaphore(%run_scoped3A : memref<!tpu.dma_semaphore, #tpu.memory_space<semaphore_mem>>)
        %dma_wait3A_69 = arith.constant 0 : i32
        %dma_wait3A_70 = tpu.memref_slice %arg5[%dma_wait3A_69] : memref<3136xi32, #tpu.memory_space<vmem>> -> memref<2784xi32, #tpu.memory_space<vmem>>
        %dma_wait3A_71 = tpu.memref_slice %arg3[%mul3A_2] : memref<100000xi32, #tpu.memory_space<hbm>> -> memref<2784xi32, #tpu.memory_space<hbm>>
        %dma_wait3A_72 = arith.constant 0 : i32
        %dma_wait3A_73 = tpu.memref_slice %arg5[%dma_wait3A_72] : memref<3136xi32, #tpu.memory_space<vmem>> -> memref<2784xi32, #tpu.memory_space<vmem>>
        %dma_wait3A_74 = tpu.memref_slice %arg3[%mul3A_2] : memref<100000xi32, #tpu.memory_space<hbm>> -> memref<2784xi32, #tpu.memory_space<hbm>>
        tpu.wait_dma2 semaphore(%run_scoped3A : memref<!tpu.dma_semaphore, #tpu.memory_space<semaphore_mem>>) src(%dma_wait3A_74 : memref<2784xi32, #tpu.memory_space<hbm>>) dst(%dma_wait3A_73 : memref<2784xi32, #tpu.memory_space<vmem>>)
        tpu.yield
      }) : () -> ()
      %scan3A = arith.constant 0 : i32
      %scan3A_45 = arith.constant 174 : i32
      %scan3A_46 = arith.addi %scan3A, %scan3A_45 : i32
      %scan3A_47 = arith.constant 1 : i32
      scf.for %scan3A_63 = %scan3A to %scan3A_46 step %scan3A_47  : i32 {
        %mul3A_64 = arith.constant 1 : i32
        %mul3A_65 = arith.muli %scan3A_63, %mul3A_64 : i32
        %add3A_66 = arith.constant 0 : i32
        %add3A_67 = arith.addi %add3A_66, %mul3A_65 : i32
        %mul3A_68 = arith.constant 16 : i32
        %mul3A_69 = arith.muli %add3A_67, %mul3A_68 : i32
        %min3A = arith.constant 2768 : i32
        %min3A_70 = arith.minsi %mul3A_69, %min3A : i32
        %get3A = arith.index_cast %min3A_70 : i32 to index
        %get3A_71 = tpu.vector_load %arg5[%get3A] {strides = array<i32>} : memref<3136xi32, #tpu.memory_space<vmem>>, vector<16xi32>,
        %get3A_72 = vector.shape_cast %get3A_71 : vector<16xi32> to vector<16xi32>
        %shift_right_arithmetic3A = arith.constant 14 : i32
        %shift_right_arithmetic3A_73 = vector.broadcast %shift_right_arithmetic3A : i32 to vector<16xi32>
        %shift_right_arithmetic3A_74 = arith.shrsi %get3A_72, %shift_right_arithmetic3A_73 : vector<16xi32>
        %shift_left3A = arith.constant 14 : i32
        %shift_left3A_75 = vector.broadcast %shift_left3A : i32 to vector<16xi32>
        %shift_left3A_76 = arith.shli %shift_right_arithmetic3A_74, %shift_left3A_75 : vector<16xi32>
        %and3A_77 = arith.constant 4095 : i32
        %and3A_78 = vector.broadcast %and3A_77 : i32 to vector<16xi32>
        %and3A_79 = arith.andi %get3A_72, %and3A_78 : vector<16xi32>
        %shift_left3A_80 = arith.constant 2 : i32
        %shift_left3A_81 = vector.broadcast %shift_left3A_80 : i32 to vector<16xi32>
        %shift_left3A_82 = arith.shli %and3A_79, %shift_left3A_81 : vector<16xi32>
        %add3A_83 = arith.addi %shift_left3A_76, %shift_left3A_82 : vector<16xi32>
        %shift_right_arithmetic3A_84 = arith.constant 12 : i32
        %shift_right_arithmetic3A_85 = vector.broadcast %shift_right_arithmetic3A_84 : i32 to vector<16xi32>
        %shift_right_arithmetic3A_86 = arith.shrsi %get3A_72, %shift_right_arithmetic3A_85 : vector<16xi32>
        %and3A_87 = arith.constant 3 : i32
        %and3A_88 = vector.broadcast %and3A_87 : i32 to vector<16xi32>
        %and3A_89 = arith.andi %shift_right_arithmetic3A_86, %and3A_88 : vector<16xi32>
        %add3A_90 = arith.addi %add3A_83, %and3A_89 : vector<16xi32>
        %swap3A = arith.index_cast %min3A_70 : i32 to index
        %swap3A_91 = tpu.vector_load %arg6[%swap3A] {strides = array<i32>} : memref<3136xi32, #tpu.memory_space<vmem>>, vector<16xi32>,
        %swap3A_92 = vector.shape_cast %swap3A_91 : vector<16xi32> to vector<16xi32>
        %swap3A_93 = vector.shape_cast %add3A_90 : vector<16xi32> to vector<16xi32>
        tpu.vector_store %arg6[%swap3A], %swap3A_93 {strides = array<i32>} : memref<3136xi32, #tpu.memory_space<vmem>>, vector<16xi32>,
      }
      %scan3A_48 = arith.constant 174 : i32
      %dma_start3A = arith.constant 0 : i32
      %dma_start3A_49 = arith.constant 0 : i32
      %dma_start3A_50 = tpu.memref_slice %arg7[%dma_start3A, %dma_start3A_49] : memref<3136x32xf32, #tpu.memory_space<vmem>> -> memref<2784x32xf32, #tpu.memory_space<vmem>>
      %dma_start3A_51 = arith.constant 0 : i32
      %dma_start3A_52 = tpu.memref_slice %arg6[%dma_start3A_51] : memref<3136xi32, #tpu.memory_space<vmem>> -> memref<2784xi32, #tpu.memory_space<vmem>>
      %dma_start3A_53 = arith.constant 0 : i32
      %dma_start3A_54 = arith.constant 0 : i32
      %dma_start3A_55 = tpu.memref_slice %arg2[%dma_start3A_53, %dma_start3A_54] : memref<1015808x32xf32, #tpu.memory_space<hbm>> -> memref<1015808x32xf32, #tpu.memory_space<hbm>>
      tpu.enqueue_indirect_dma source(%dma_start3A_55 : memref<1015808x32xf32, #tpu.memory_space<hbm>>) target(%dma_start3A_50 : memref<2784x32xf32, #tpu.memory_space<vmem>>) offsets(%dma_start3A_52 : memref<2784xi32, #tpu.memory_space<vmem>>) semaphore(%arg8 : memref<!tpu.dma_semaphore, #tpu.memory_space<semaphore_mem>>)
      %dma_wait3A = arith.constant 0 : i32
      %dma_wait3A_56 = arith.constant 0 : i32
      %dma_wait3A_57 = tpu.memref_slice %arg7[%dma_wait3A, %dma_wait3A_56] : memref<3136x32xf32, #tpu.memory_space<vmem>> -> memref<2784x32xf32, #tpu.memory_space<vmem>>
      %dma_wait3A_58 = arith.constant 0 : i32
      %dma_wait3A_59 = tpu.memref_slice %arg6[%dma_wait3A_58] : memref<3136xi32, #tpu.memory_space<vmem>> -> memref<2784xi32, #tpu.memory_space<vmem>>
      %dma_wait3A_60 = arith.constant 0 : i32
      %dma_wait3A_61 = arith.constant 0 : i32
      %dma_wait3A_62 = tpu.memref_slice %arg2[%dma_wait3A_60, %dma_wait3A_61] : memref<1015808x32xf32, #tpu.memory_space<hbm>> -> memref<1015808x32xf32, #tpu.memory_space<hbm>>
      tpu.wait_indirect_dma semaphore(%arg8 : memref<!tpu.dma_semaphore, #tpu.memory_space<semaphore_mem>>) src(%dma_wait3A_62 : memref<1015808x32xf32, #tpu.memory_space<hbm>>) dst(%dma_wait3A_57 : memref<2784x32xf32, #tpu.memory_space<vmem>>)
      "tpu.region"() ({
        %run_scoped3A = tpu.sem_alloc : memref<!tpu.dma_semaphore, #tpu.memory_space<semaphore_mem>>
        %dma_start3A_63 = arith.constant 0 : i32
        %dma_start3A_64 = arith.constant 0 : i32
        %dma_start3A_65 = tpu.memref_slice %arg7[%dma_start3A_63, %dma_start3A_64] : memref<3136x32xf32, #tpu.memory_space<vmem>> -> memref<2784x32xf32, #tpu.memory_space<vmem>>
        %dma_start3A_66 = tpu.memref_slice %arg4[%mul3A_20, %mul3A_36] : memref<25088x128xf32, #tpu.memory_space<hbm>> -> memref<2784x32xf32, #tpu.memory_space<hbm>>
        %dma_start3A_67 = tpu.memref_slice %arg4[%mul3A_20, %mul3A_36] : memref<25088x128xf32, #tpu.memory_space<hbm>> -> memref<2784x32xf32, #tpu.memory_space<hbm>>
        %dma_start3A_68 = arith.constant 0 : i32
        %dma_start3A_69 = arith.constant 0 : i32
        %dma_start3A_70 = tpu.memref_slice %arg7[%dma_start3A_68, %dma_start3A_69] : memref<3136x32xf32, #tpu.memory_space<vmem>> -> memref<2784x32xf32, #tpu.memory_space<vmem>>
        tpu.enqueue_dma source(%dma_start3A_70 : memref<2784x32xf32, #tpu.memory_space<vmem>>) target(%dma_start3A_67 : memref<2784x32xf32, #tpu.memory_space<hbm>>) target_semaphore(%run_scoped3A : memref<!tpu.dma_semaphore, #tpu.memory_space<semaphore_mem>>)
        %dma_wait3A_71 = arith.constant 0 : i32
        %dma_wait3A_72 = arith.constant 0 : i32
        %dma_wait3A_73 = tpu.memref_slice %arg7[%dma_wait3A_71, %dma_wait3A_72] : memref<3136x32xf32, #tpu.memory_space<vmem>> -> memref<2784x32xf32, #tpu.memory_space<vmem>>
        %dma_wait3A_74 = tpu.memref_slice %arg4[%mul3A_20, %mul3A_36] : memref<25088x128xf32, #tpu.memory_space<hbm>> -> memref<2784x32xf32, #tpu.memory_space<hbm>>
        %dma_wait3A_75 = tpu.memref_slice %arg4[%mul3A_20, %mul3A_36] : memref<25088x128xf32, #tpu.memory_space<hbm>> -> memref<2784x32xf32, #tpu.memory_space<hbm>>
        %dma_wait3A_76 = arith.constant 0 : i32
        %dma_wait3A_77 = arith.constant 0 : i32
        %dma_wait3A_78 = tpu.memref_slice %arg7[%dma_wait3A_76, %dma_wait3A_77] : memref<3136x32xf32, #tpu.memory_space<vmem>> -> memref<2784x32xf32, #tpu.memory_space<vmem>>
        tpu.wait_dma2 semaphore(%run_scoped3A : memref<!tpu.dma_semaphore, #tpu.memory_space<semaphore_mem>>) src(%dma_wait3A_78 : memref<2784x32xf32, #tpu.memory_space<vmem>>) dst(%dma_wait3A_75 : memref<2784x32xf32, #tpu.memory_space<hbm>>)
        tpu.yield
      }) : () -> ()
    } else {
    }
    return
  }
}

module attributes {stable_mosaic.version = 14 : i64} {
  func.func @_tc_repack(%arg0: i32, %arg1: memref<32x4096xf32, #tpu.memory_space<vmem>>, %arg2: memref<32x4096xf32, #tpu.memory_space<vmem>>, %arg3: memref<32x4096xf32, #tpu.memory_space<vmem>>, %arg4: memref<32x4096xf32, #tpu.memory_space<vmem>>, %arg5: memref<32x4096xf32, #tpu.memory_space<vmem>>, %arg6: memref<32x4096xf32, #tpu.memory_space<vmem>>, %arg7: memref<32x4096xf32, #tpu.memory_space<vmem>>, %arg8: memref<32x4096xf32, #tpu.memory_space<vmem>>, %arg9: memref<4096x128xf32, #tpu.memory_space<vmem>>) attributes {dimension_semantics = [#tpu.dimension_semantics<arbitrary>], iteration_bounds = array<i64: 62>, scalar_prefetch = 0 : i64, scratch_operands = 0 : i64, tpu.core_type = #tpu.core_type<tc>, window_params = [{transform_indices = @transform_0, window_bounds = array<i64: 32, 4096>}, {transform_indices = @transform_1, window_bounds = array<i64: 32, 4096>}, {transform_indices = @transform_2, window_bounds = array<i64: 32, 4096>}, {transform_indices = @transform_3, window_bounds = array<i64: 32, 4096>}, {transform_indices = @transform_4, window_bounds = array<i64: 32, 4096>}, {transform_indices = @transform_5, window_bounds = array<i64: 32, 4096>}, {transform_indices = @transform_6, window_bounds = array<i64: 32, 4096>}, {transform_indices = @transform_7, window_bounds = array<i64: 32, 4096>}, {transform_indices = @transform_8, window_bounds = array<i64: 4096, 128>}]} {
    %lt3A = arith.constant 61 : i32
    %lt3A_0 = arith.cmpi slt, %arg0, %lt3A : i32
    %convert_element_type3A = arith.extui %lt3A_0 : i1 to i32
    %cond3A = arith.constant 0 : i32
    %cond3A_1 = arith.cmpi ne, %convert_element_type3A, %cond3A : i32
    scf.if %cond3A_1 {
      %get3A = arith.constant 0 : index
      %get3A_6 = arith.constant 0 : index
      %get3A_7 = vector.load %arg1[%get3A, %get3A_6] : memref<32x4096xf32, #tpu.memory_space<vmem>>, vector<32x4096xf32>
      %get3A_8 = arith.constant 0 : index
      %get3A_9 = arith.constant 0 : index
      %get3A_10 = vector.load %arg2[%get3A_8, %get3A_9] : memref<32x4096xf32, #tpu.memory_space<vmem>>, vector<32x4096xf32>
      %get3A_11 = arith.constant 0 : index
      %get3A_12 = arith.constant 0 : index
      %get3A_13 = vector.load %arg3[%get3A_11, %get3A_12] : memref<32x4096xf32, #tpu.memory_space<vmem>>, vector<32x4096xf32>
      %get3A_14 = arith.constant 0 : index
      %get3A_15 = arith.constant 0 : index
      %get3A_16 = vector.load %arg4[%get3A_14, %get3A_15] : memref<32x4096xf32, #tpu.memory_space<vmem>>, vector<32x4096xf32>
      %concatenate3A = tpu.concatenate %get3A_7, %get3A_10, %get3A_13, %get3A_16 in 0 : vector<32x4096xf32>, vector<32x4096xf32>, vector<32x4096xf32>, vector<32x4096xf32> -> vector<128x4096xf32>
      %transpose3A = tpu.transpose %concatenate3A, [1, 0] : vector<128x4096xf32> -> vector<4096x128xf32>
      %swap3A = arith.constant 0 : index
      %swap3A_17 = arith.constant 0 : index
      %swap3A_18 = vector.load %arg9[%swap3A, %swap3A_17] : memref<4096x128xf32, #tpu.memory_space<vmem>>, vector<4096x128xf32>
      tpu.vector_store %arg9[%swap3A, %swap3A_17], %transpose3A {strides = array<i32>} : memref<4096x128xf32, #tpu.memory_space<vmem>>, vector<4096x128xf32>,
    } else {
    }
    %eq3A = arith.constant 61 : i32
    %eq3A_2 = arith.cmpi eq, %arg0, %eq3A : i32
    %convert_element_type3A_3 = arith.extui %eq3A_2 : i1 to i32
    %cond3A_4 = arith.constant 0 : i32
    %cond3A_5 = arith.cmpi ne, %convert_element_type3A_3, %cond3A_4 : i32
    scf.if %cond3A_5 {
      %get3A = arith.constant 0 : index
      %get3A_6 = arith.constant 0 : index
      %get3A_7 = vector.load %arg5[%get3A, %get3A_6] : memref<32x4096xf32, #tpu.memory_space<vmem>>, vector<32x4096xf32>
      %get3A_8 = arith.constant 0 : index
      %get3A_9 = arith.constant 0 : index
      %get3A_10 = vector.load %arg6[%get3A_8, %get3A_9] : memref<32x4096xf32, #tpu.memory_space<vmem>>, vector<32x4096xf32>
      %get3A_11 = arith.constant 0 : index
      %get3A_12 = arith.constant 0 : index
      %get3A_13 = vector.load %arg7[%get3A_11, %get3A_12] : memref<32x4096xf32, #tpu.memory_space<vmem>>, vector<32x4096xf32>
      %get3A_14 = arith.constant 0 : index
      %get3A_15 = arith.constant 0 : index
      %get3A_16 = vector.load %arg8[%get3A_14, %get3A_15] : memref<32x4096xf32, #tpu.memory_space<vmem>>, vector<32x4096xf32>
      %concatenate3A = tpu.concatenate %get3A_7, %get3A_10, %get3A_13, %get3A_16 in 0 : vector<32x4096xf32>, vector<32x4096xf32>, vector<32x4096xf32>, vector<32x4096xf32> -> vector<128x4096xf32>
      %transpose3A = tpu.transpose %concatenate3A, [1, 0] : vector<128x4096xf32> -> vector<4096x128xf32>
      %swap3A = arith.constant 0 : index
      %swap3A_17 = arith.constant 0 : index
      %swap3A_18 = vector.load %arg9[%swap3A, %swap3A_17] : memref<4096x128xf32, #tpu.memory_space<vmem>>, vector<4096x128xf32>
      tpu.vector_store %arg9[%swap3A, %swap3A_17], %transpose3A {strides = array<i32>} : memref<4096x128xf32, #tpu.memory_space<vmem>>, vector<4096x128xf32>,
    } else {
    }
    return
  }
  func.func @transform_0(%arg0: i32) -> (i32, i32) {
    %lt3A = arith.constant 61 : i32
    %lt3A_0 = arith.cmpi slt, %arg0, %lt3A : i32
    %mul3A = arith.constant 4 : i32
    %mul3A_1 = arith.muli %mul3A, %arg0 : i32
    %add3A = arith.constant 0 : i32
    %add3A_2 = arith.addi %mul3A_1, %add3A : i32
    %jit3A = arith.constant 0 : i32
    %select_n3A = arith.select %lt3A_0, %add3A_2, %jit3A : i32
    %c0_i32 = arith.constant 0 : i32
    %c0_i32_3 = arith.constant 0 : i32
    return %c0_i32, %select_n3A : i32, i32
  }
  func.func @transform_1(%arg0: i32) -> (i32, i32) {
    %lt3A = arith.constant 61 : i32
    %lt3A_0 = arith.cmpi slt, %arg0, %lt3A : i32
    %mul3A = arith.constant 4 : i32
    %mul3A_1 = arith.muli %mul3A, %arg0 : i32
    %add3A = arith.constant 1 : i32
    %add3A_2 = arith.addi %mul3A_1, %add3A : i32
    %jit3A = arith.constant 0 : i32
    %select_n3A = arith.select %lt3A_0, %add3A_2, %jit3A : i32
    %c0_i32 = arith.constant 0 : i32
    %c0_i32_3 = arith.constant 0 : i32
    return %c0_i32, %select_n3A : i32, i32
  }
  func.func @transform_2(%arg0: i32) -> (i32, i32) {
    %lt3A = arith.constant 61 : i32
    %lt3A_0 = arith.cmpi slt, %arg0, %lt3A : i32
    %mul3A = arith.constant 4 : i32
    %mul3A_1 = arith.muli %mul3A, %arg0 : i32
    %add3A = arith.constant 2 : i32
    %add3A_2 = arith.addi %mul3A_1, %add3A : i32
    %jit3A = arith.constant 0 : i32
    %select_n3A = arith.select %lt3A_0, %add3A_2, %jit3A : i32
    %c0_i32 = arith.constant 0 : i32
    %c0_i32_3 = arith.constant 0 : i32
    return %c0_i32, %select_n3A : i32, i32
  }
  func.func @transform_3(%arg0: i32) -> (i32, i32) {
    %lt3A = arith.constant 61 : i32
    %lt3A_0 = arith.cmpi slt, %arg0, %lt3A : i32
    %mul3A = arith.constant 4 : i32
    %mul3A_1 = arith.muli %mul3A, %arg0 : i32
    %add3A = arith.constant 3 : i32
    %add3A_2 = arith.addi %mul3A_1, %add3A : i32
    %jit3A = arith.constant 0 : i32
    %select_n3A = arith.select %lt3A_0, %add3A_2, %jit3A : i32
    %c0_i32 = arith.constant 0 : i32
    %c0_i32_3 = arith.constant 0 : i32
    return %c0_i32, %select_n3A : i32, i32
  }
  func.func @transform_4(%arg0: i32) -> (i32, i32) {
    %lt3A = arith.constant 61 : i32
    %lt3A_0 = arith.cmpi slt, %arg0, %lt3A : i32
    %jit3A = arith.constant 0 : i32
    %jit3A_1 = arith.constant 0 : i32
    %select_n3A = arith.select %lt3A_0, %jit3A, %jit3A_1 : i32
    %c0_i32 = arith.constant 0 : i32
    %c0_i32_2 = arith.constant 0 : i32
    return %c0_i32, %select_n3A : i32, i32
  }
  func.func @transform_5(%arg0: i32) -> (i32, i32) {
    %lt3A = arith.constant 61 : i32
    %lt3A_0 = arith.cmpi slt, %arg0, %lt3A : i32
    %jit3A = arith.constant 0 : i32
    %jit3A_1 = arith.constant 1 : i32
    %select_n3A = arith.select %lt3A_0, %jit3A, %jit3A_1 : i32
    %c0_i32 = arith.constant 0 : i32
    %c0_i32_2 = arith.constant 0 : i32
    return %c0_i32, %select_n3A : i32, i32
  }
  func.func @transform_6(%arg0: i32) -> (i32, i32) {
    %lt3A = arith.constant 61 : i32
    %lt3A_0 = arith.cmpi slt, %arg0, %lt3A : i32
    %jit3A = arith.constant 0 : i32
    %jit3A_1 = arith.constant 2 : i32
    %select_n3A = arith.select %lt3A_0, %jit3A, %jit3A_1 : i32
    %c0_i32 = arith.constant 0 : i32
    %c0_i32_2 = arith.constant 0 : i32
    return %c0_i32, %select_n3A : i32, i32
  }
  func.func @transform_7(%arg0: i32) -> (i32, i32) {
    %lt3A = arith.constant 61 : i32
    %lt3A_0 = arith.cmpi slt, %arg0, %lt3A : i32
    %jit3A = arith.constant 0 : i32
    %jit3A_1 = arith.constant 3 : i32
    %select_n3A = arith.select %lt3A_0, %jit3A, %jit3A_1 : i32
    %c0_i32 = arith.constant 0 : i32
    %c0_i32_2 = arith.constant 0 : i32
    return %c0_i32, %select_n3A : i32, i32
  }
  func.func @transform_8(%arg0: i32) -> (i32, i32) {
    %c0_i32 = arith.constant 0 : i32
    %c0_i32_0 = arith.constant 0 : i32
    return %arg0, %c0_i32 : i32, i32
  }
}

module attributes {stable_mosaic.version = 14 : i64} {
  func.func @_tc_finish(%arg0: i32, %arg1: memref<3136x128xf32, #tpu.memory_space<vmem>>, %arg2: memref<32x12544xf32, #tpu.memory_space<vmem>>) attributes {dimension_semantics = [#tpu.dimension_semantics<arbitrary>], iteration_bounds = array<i64: 8>, scalar_prefetch = 0 : i64, scratch_operands = 0 : i64, tpu.core_type = #tpu.core_type<tc>, window_params = [{transform_indices = @transform_0, window_bounds = array<i64: 3136, 128>}, {transform_indices = @transform_1, window_bounds = array<i64: 32, 12544>}]} {
    %get3A = arith.constant 0 : index
    %get3A_0 = arith.constant 0 : index
    %get3A_1 = vector.load %arg1[%get3A, %get3A_0] : memref<3136x128xf32, #tpu.memory_space<vmem>>, vector<3136x128xf32>
    %transpose3A = tpu.transpose %get3A_1, [1, 0] : vector<3136x128xf32> -> vector<128x3136xf32>
    %slice3A = vector.extract_strided_slice %transpose3A {offsets = [0, 0], sizes = [32, 3136], strides = [1, 1]} : vector<128x3136xf32> to vector<32x3136xf32>
    %slice3A_2 = vector.extract_strided_slice %transpose3A {offsets = [32, 0], sizes = [32, 3136], strides = [1, 1]} : vector<128x3136xf32> to vector<32x3136xf32>
    %slice3A_3 = vector.extract_strided_slice %transpose3A {offsets = [64, 0], sizes = [32, 3136], strides = [1, 1]} : vector<128x3136xf32> to vector<32x3136xf32>
    %slice3A_4 = vector.extract_strided_slice %transpose3A {offsets = [96, 0], sizes = [32, 3136], strides = [1, 1]} : vector<128x3136xf32> to vector<32x3136xf32>
    %concatenate3A = tpu.concatenate %slice3A, %slice3A_2, %slice3A_3, %slice3A_4 in 1 : vector<32x3136xf32>, vector<32x3136xf32>, vector<32x3136xf32>, vector<32x3136xf32> -> vector<32x12544xf32>
    %swap3A = arith.constant 0 : index
    %swap3A_5 = arith.constant 0 : index
    %swap3A_6 = vector.load %arg2[%swap3A, %swap3A_5] : memref<32x12544xf32, #tpu.memory_space<vmem>>, vector<32x12544xf32>
    tpu.vector_store %arg2[%swap3A, %swap3A_5], %concatenate3A {strides = array<i32>} : memref<32x12544xf32, #tpu.memory_space<vmem>>, vector<32x12544xf32>,
    return
  }
  func.func @transform_0(%arg0: i32) -> (i32, i32) {
    %c0_i32 = arith.constant 0 : i32
    %c0_i32_0 = arith.constant 0 : i32
    return %arg0, %c0_i32 : i32, i32
  }
  func.func @transform_1(%arg0: i32) -> (i32, i32) {
    %c0_i32 = arith.constant 0 : i32
    %c0_i32_0 = arith.constant 0 : i32
    return %c0_i32, %arg0 : i32, i32
  }
}

</mosaic_0001>

<sc_bundles>
// kernel: kernel.5.cloned.1.call-start
scs
__scs_entry_jumppad:
0x0: {  	(pc) =	sbr.rel $0x88, $3  }
0x1: {  	(tag) =	ssettag $0x0;
	lr =	simm.s32 $0x1  }
0x2: {  	[smem:$0x3F9F] =	sst lr;
	_ =	strace $0xD0000000  }
0x3: {  	_ = 	snop  }
0x4: {  	_ = 	snop  }
0x5: {  	_ = 	snop  }
0x6: {  	_ = 	snop  }
0x7: {  	_ = 	snop  }
__scs_overlays_trampoline_lowered:
0x8: {  	[smem:$0x3FAE] =	sst s0  }
0x9: {  	[smem:$0x3FAF] =	sst s1  }
0xa: {  	[smem:$0x3FB0] =	sst s2  }
0xb: {  	[smem:$0x3FB1] =	sst s3  }
0xc: {  	[smem:$0x3FB2] =	sst s4  }
0xd: {  	[smem:$0x3FB3] =	sst s5  }
0xe: {  	[smem:$0x3FB4] =	sst s6  }
0xf: {  	[smem:$0x3FB5] =	sst s7  }
0x10: {  	[smem:$0x3FB6] =	sst s8  }
0x11: {  	[smem:$0x3FB7] =	sst s9;
	s0 =	simm.s32 @!p0 $0x0  }
0x12: {  	s1 =	sld [smem:$0x3F9D];
	s0 =	simm.s32 @p0 $0x1  }
0x13: {  	[smem:$0x3FB8] =	sst s0;
	s0 =	simm.s32 @!p1 $0x0  }
0x14: {  	s2 =	sld [smem:$0x3F9C];
	s0 =	simm.s32 @p1 $0x1  }
0x15: {  	[smem:$0x3FB9] =	sst s0;
	s0 =	simm.s32 @!p2 $0x0  }
0x16: {  	s3 =	sld [smem:$0x3FDB];
	s0 =	simm.s32 @p2 $0x1  }
0x17: {  	s4 =	simm.s32 $0x1BF5;
	[smem:$0x3FBB] =	sst s0  }
0x18: {  	s0 =	sld [smem:$0x3F9E];
	_ =	swait.ge [sflag:s4], $0x0  }
0x19: {  	s7 =	sld [smem:$0x3F9F]  }
0x1a: {  	s8 =	sadd.s32 $0xFFFFE003, lr  }
0x1b: {  	s9 =	sadd.s32 $0xFFFFFEF7, lr;
	s5 =	simm.s32 $0xFFFFFFFF;
	p2 =	slt.u32 s8, $0xFFFFF086  }
0x1c: {  	p1 =	slt.u32 s9, $0xF7A;
	s5 =	simm.s32 @!p2 $0x0  }
0x1d: {  	s5 =	simm.s32 @p1 $0x1;
	p0 =	seq.s32 s7, s2  }
0x1e: {  	s7 =	smul.u32 @!p0 $0xF7A, s2;
	p2 =	seq.s32 @!p0 s5, $0x0  }
0x1f: {  	s9 =	smul.u32 $0xF7A, s1;
	s8 =	simm.s32 @!p0 $0x1BF5;
	p2 =	por !p2, p0  }
0x20: {  	[sflag:s8] =	ssyncset.s32 @!p0 $0xFFFFF086;
	s6 =	sadd.s32 @!p0 s3, s7;
	s7 =	simm.s32 @!p0 $0x108  }
0x21: {  	s3 =	sadd.s32 s3, s9;
	s6 =	sadd.s32 @!p0 $0x88, s6;
	s7 =	simm.s32 @p2 $0x1082  }
0x22: {  	[simem:s7], [sflag:s8] =	dma.local @!p0 [hbm:s6], $0xF7A  }
0x23: {  	s9 =	sor.u32 $0xD0000000, s2;
	s6 =	simm.s32 $0x108;
	_ =	swait.ge @!p0 [sflag:s8], $0x0  }
0x24: {  	s3 =	sadd.s32 $0x88, s3;
	s6 =	simm.s32 @!p1 $0x1082;
	[sflag:s4] =	ssyncset.s32 $0xFFFFF086  }
0x25: {  	[simem:s6], [sflag:s4] =	dma.local [hbm:s3], $0xF7A  }
0x26: {  	[smem:$0x3F9F] =	sst s1;
	(tag) =	ssettag s2;
	_ =	strace s9  }
0x27: {  	s1 =	sld [smem:$0x3FAF]  }
0x28: {  	s2 =	sld [smem:$0x3FB0]  }
0x29: {  	s4 =	sld [smem:$0x3FB2]  }
0x2a: {  	p0 =	seq.s32 s5, $0x0;
	s5 =	sld [smem:$0x3FB3]  }
0x2b: {  	s6 =	sld [smem:$0x3FB4]  }
0x2c: {  	s7 =	sld [smem:$0x3FB5]  }
0x2d: {  	s3 =	simm.s32 $0x108;
	s8 =	sld [smem:$0x3FB6]  }
0x2e: {  	s3 =	simm.s32 @!p0 $0x1082;
	s9 =	sld [smem:$0x3FB7]  }
0x2f: {  	lr =	sadd.s32 s0, s3;
	s0 =	sld [smem:$0x3FAE]  }
0x30: {  	s3 =	sld [smem:$0x3FB1]  }
0x31: {  	[smem:$0x3FBA] =	sst s10  }
0x32: {  	s10 =	sld [smem:$0x3FB8];
	_ =	sdelay $0x3  }
0x33: {  	p0 =	seq.s32 s10, $0x1;
	s10 =	sld [smem:$0x3FBA];
	_ =	sdelay $0x3  }
0x34: {  	[smem:$0x3FBA] =	sst s10  }
0x35: {  	s10 =	sld [smem:$0x3FB9];
	_ =	sdelay $0x3  }
0x36: {  	p1 =	seq.s32 s10, $0x1;
	s10 =	sld [smem:$0x3FBA];
	_ =	sdelay $0x3  }
0x37: {  	[smem:$0x3FBA] =	sst s10  }
0x38: {  	s10 =	sld [smem:$0x3FBB]  }
0x39: {  	_ = 	snop;
	(pc) =	sbr.ind lr, $3  }
0x3a: {  	_ = 	snop  }
0x3b: {  	_ = 	snop  }
0x3c: {  	p2 =	seq.s32 s10, $0x1;
	s10 =	sld [smem:$0x3FBA]  }
0x3d: {  	_ =	shalt  }
0x3e: {  	_ =	shalt  }
0x3f: {  	_ =	shalt  }
0x40: {  	_ =	shalt  }
0x41: {  	_ =	shalt  }
0x42: {  	_ =	shalt  }
0x43: {  	_ =	shalt  }
0x44: {  	_ =	shalt  }
0x45: {  	_ =	shalt  }
0x46: {  	_ =	shalt  }
0x47: {  	_ =	shalt  }
0x48: {  	_ =	shalt  }
0x49: {  	_ =	shalt  }
0x4a: {  	_ =	shalt  }
0x4b: {  	_ =	shalt  }
0x4c: {  	_ =	shalt  }
0x4d: {  	_ =	shalt  }
0x4e: {  	_ =	shalt  }
0x4f: {  	_ =	shalt  }
0x50: {  	_ =	shalt  }
0x51: {  	_ =	shalt  }
0x52: {  	_ =	shalt  }
0x53: {  	_ =	shalt  }
0x54: {  	_ =	shalt  }
0x55: {  	_ =	shalt  }
0x56: {  	_ =	shalt  }
0x57: {  	_ =	shalt  }
0x58: {  	_ =	shalt  }
0x59: {  	_ =	shalt  }
0x5a: {  	_ =	shalt  }
0x5b: {  	_ =	shalt  }
0x5c: {  	_ =	shalt  }
0x5d: {  	_ =	shalt  }
0x5e: {  	_ =	shalt  }
0x5f: {  	_ =	shalt  }
0x60: {  	_ =	shalt  }
0x61: {  	_ =	shalt  }
0x62: {  	_ =	shalt  }
0x63: {  	_ =	shalt  }
0x64: {  	_ =	shalt  }
0x65: {  	_ =	shalt  }
0x66: {  	_ =	shalt  }
0x67: {  	_ =	shalt  }
0x68: {  	_ =	shalt  }
0x69: {  	_ =	shalt  }
0x6a: {  	_ =	shalt  }
0x6b: {  	_ =	shalt  }
0x6c: {  	_ =	shalt  }
0x6d: {  	_ =	shalt  }
0x6e: {  	_ =	shalt  }
0x6f: {  	_ =	shalt  }
0x70: {  	_ =	shalt  }
0x71: {  	_ =	shalt  }
0x72: {  	_ =	shalt  }
0x73: {  	_ =	shalt  }
0x74: {  	_ =	shalt  }
0x75: {  	_ =	shalt  }
0x76: {  	_ =	shalt  }
0x77: {  	_ =	shalt  }
0x78: {  	_ =	shalt  }
0x79: {  	_ =	shalt  }
0x7a: {  	_ =	shalt  }
0x7b: {  	_ =	shalt  }
0x7c: {  	_ =	shalt  }
0x7d: {  	_ =	shalt  }
0x7e: {  	_ =	shalt  }
0x7f: {  	_ =	shalt  }
0x80: {  	_ =	shalt  }
0x81: {  	_ =	shalt  }
0x82: {  	_ =	shalt  }
0x83: {  	_ =	shalt  }
0x84: {  	_ =	shalt  }
0x85: {  	_ =	shalt  }
0x86: {  	_ =	shalt  }
0x87: {  	_ =	shalt  }
.Lfunc_end0:
.L_simem_size_0:
called_computation_lowered:
.L_overlay_start_0:
0x88: {  	s2 =	sld [smem:$0x3FD9]  }
0x89: {  	s3 =	sld [smem:$0x3FFE];
	_ =	sdelay $0x1  }
0x8a: {  	s1 =	srdreg.scid  }
0x8b: {  	s0 =	sand.u32 $0x1, s1  }
0x8c: {  	s17 =	sshll.u32 s0, $0xA;
	s2 =	sadd.s32 s3, s2  }
0x8d: {  	s2 =	sadd.s32 s2, s17  }
0x8e: {  	[smem:$0x3FC6] =	sst s2  }
0x8f: {  	_ = 	snop  }
0x90: {  	s2 =	sld [smem:$0x3FC9];
	(tm) =	ssettm $0x1  }
0x91: {  	s18 =	sld [smem:$0x3FFB];
	_ =	sdelay $0x3  }
0x92: {  	_ =	strace s18  }
0x93: {  	s3 =	sld [smem:$0x3FFC];
	_ =	sdelay $0x3  }
0x94: {  	_ =	strace s3  }
0x95: {  	s3 =	sld [smem:$0x3FFD];
	_ =	sdelay $0x3  }
0x96: {  	_ =	strace s3  }
0x97: {  	_ =	strace $0x8FFFFFFF  }
0x98: {  	s19 =	sld [smem:$0x3FDB];
	_ =	sdelay $0x1  }
0x99: {  	s4 =	simm.s32 $_scs_section_size  }
0x9a: {  	s5 =	simm.s32 $_size__tile_overlayer_lowered;
	s6 =	simm.s32 $_tile_overlayer_lowered  }
0x9b: {  	s22 =	simm.s32 $0x1BFF;
	s21 =	sshll.u32 s6, $0x1;
	s3 =	sadd.s32 s4, s19  }
0x9c: {  	s7 =	simm.s32 $0x0;
	s20 =	sshll.u32 s5, $0x1;
	s5 =	sadd.s32 s21, s3  }
0x9d: {  	[timem:s7], [sflag:s22] =	dma.local [hbm:s5], s20  }
0x9e: {  	_ =	swait.ge [sflag:s22], s20  }
0x9f: {  	s4 =	ssub.s32 $0x0, s20;
	[sflag:s22] =	ssyncset.done $0x0  }
0xa0: {  	[sflag:s22] =	ssyncadd.s32 s4;
	_ =	sdelay $0x1  }
0xa1: {  	s23 =	simm.s32 $0x1B8B  }
0xa2: {  	_ =	swait.ge [sflag:s23], $0x1  }
0xa3: {  	[sflag:s23] =	ssyncset.done $0x0  }
0xa4: {  	s25 =	simm.s32 $0x1B8E;
	s24 =	sld [smem:$0x3FFE];
	[sflag:s23] =	ssyncadd.s32 $0xFFFFFFFF  }
0xa5: {  	s26 =	simm.s32 $execute0_lowered;
	[smem:$0x3FD2] =	sst s25  }
0xa6: {  	s5 =	sshll.u32 s26, $0x1;
	_ =	strace $0x80000046;
	[dreg:$0x1] =	wrdreg $0xFFFFFFFF  }
0xa7: {  	s28 =	simm.s32 $_size_execute0_lowered;
	s3 =	sadd.s32 s3, s5;
	[dreg:$0x0] =	wrdreg $0x0  }
0xa8: {  	s5 =	sshll.u32 s28, $0x1;
	[dreg:$0x2] =	wrdreg s3  }
0xa9: {  	[dreg:$0x3] =	wrdreg s5  }
0xaa: {  	[dreg:$0x4] =	wrdreg $0xC0  }
0xab: {  	_ =	task [dreg:s7], $0x5FFFF  }
0xac: {  	[dreg:$0x1] =	wrdreg $0xFFFFFFFF  }
0xad: {  	[dreg:$0x0] =	wrdreg $0x60  }
0xae: {  	[dreg:$0x2] =	wrdreg s24  }
0xaf: {  	[dreg:$0x3] =	wrdreg s2  }
0xb0: {  	[dreg:$0x4] =	wrdreg $0x9  }
0xb1: {  	_ =	task.clear_ibuf [dreg:s7], $0x5FFFF;
	_ =	strace $0x90000046  }
0xb2: {  	s29 =	simm.s32 $0x9;
	_ =	strace $0x80000048  }
0xb3: {  	_ =	swait.ge [sflag:s29], $0x1  }
0xb4: {  	[sflag:s29] =	ssyncadd.s32 $0xFFFFFFFF  }
0xb5: {  	_ =	strace $0x90000048  }
0xb6: {  	_ =	sfence  }
0xb7: {  	s30 =	sld [smem:$0x0];
	_ =	sdelay $0x2  }
0xb8: {  	s31 =	sshll.u32 s1, $0xD;
	s1 =	sshrl.u32 s1, $0x2  }
0xb9: {  	s3 =	sand.u32 $0x4000, s31;
	s1 =	sadd.s32 s1, s30  }
0xba: {  	s0 =	sor.u32 s3, s0;
	s1 =	sshll.u32 s1, $0x11  }
0xbb: {  	s0 =	sor.u32 s1, s0  }
0xbc: {  	s0 =	sadd.s32 $0x8F2B, s0  }
0xbd: {  	[sflag:s0] =	ssyncadd.remote.s32 $0x1  }
0xbe: {  	_ =	sfence.sel $0xFFFF  }
0xbf: {  	[dreg:$0x0] =	wrdreg $0xFFFFFFFF;
	(pc) =	sbr.abs _section_cstart, $3  }
0xc0: {  	[dreg:$0x1] =	wrdreg $0xFFFFFFFF  }
0xc1: {  	_ =	task.clear_ibuf [dreg:s7], $0x2FFFF;
	_ =	strace $0x9FFFFFFF  }
0xc2: {  	(tm) =	ssettm $0x7FFFFFFF  }
0xc3: {  	_ =	shalt  }
tec
execute0_lowered:
.L_overlay_start_1:
0x0: {  	(tag) =	ssettag $0x1  }
0x1: {  	s4 =	rddreg [dreg:$0x0]  }
0x2: {  	s6 =	rddreg [dreg:$0x1]  }
0x3: {  	s0 =	rddreg [dreg:$0x2]  }
0x4: {  	s2 =	simm.s32 $0x0;
	s3 =	srdreg.scid;
	s1 =	stileid.u32  }
0x5: {  	s14 =	simm.s32 $0x20;
	s15 =	simm.s32 $0x80;
	[smem:$0x7FF] =	sst s2  }
0x6: {  	s5 =	sand.u32 $0x1, s3;
	s30 =	sshll.u32 s1, $0x1;
	s7 =	sshrl.u32 s1, $0x1  }
0x7: {  	s3 =	sadd.s32 $0x600, s4;
	s13 =	sadd.s32 $0x3E0600, s4;
	s11 =	smul.u32 $0x62000, s7  }
0x8: {  	_ =	strace $0x80000047;
	s9 =	sor.u32 s5, s30;
	s7 =	smul.u32 $0xC400, s7  }
0x9: {  	s5 =	ssub.s32 $0x2, s5;
	s8 =	smul.u32 $0x188, s9;
	s10 =	sshll.u32 s9, $0x5  }
0xa: {  	s12 =	sshrl.u32 s5, $0x1;
	p0 =	seq.s32 s9, $0x1F;
	s9 =	simm.s32 $0x2  }
.Ltmp0:
0xb: {  	s10 =	sand.u32 $0x60, s10;
	s12 =	ssub.s32 s5, s12;
	(pc) =	sbr.rel .LBB2_1-.Ltmp0, $4  }
0xc: {  	s7 =	sadd.s32 s7, s13;
	s31 =	sor.u32 s11, s10;
	s4 =	sadd.s32 s6, s8  }
0xd: {  	s6 =	sadd.s32 $0x2F78, s6;
	s7 =	sadd.s32 $0xC, s7;
	s8 =	smax.u32 s12, $0x1  }
0xe: {  	s10 =	simm.s32 $0xAE0;
	s11 =	simm.s32 $0xC40;
	s5 =	sshrl.u32 s31, $0x3  }
0xf: {  	s12 =	simm.s32 $0x1880;
	s5 =	sadd.s32 s13, s5;
	s13 =	simm.s32 $0x1  }
.LBB2_7:
0x10: {  	v1 =	vshll.u32 v0, $0x2  }
0x11: {  	v2 =	vand.u32 $0xFFFFC000, v0;
	v63 =	vshrl.u32 v0, $0xC;
	v1 =	vand.u32 $0x3FFC, v1  }
0x12: {  	v0 =	vand.u32 $0x3, v63;
	v1 =	vor.u32 v2, v1  }
0x13: {  	v0 =	vor.u32 v0, v1  }
0x14: {  	[tilespmem:s16+$0xC40] =	vst v0  }
0x15: {  	[tilespmem:s12], [sflag:$0x1] =	stream.indirect.gather [hbm4b:s3+s10], $0x20, s11, s10, $0xb8;
	[tilespmem:$0x1A080] =	vst v63  }
0x16: {  	_ =	swait.ge [sflag:s13], $0x15C00  }
0x17: {  	[sflag:s13] =	ssyncset.done $0x0  }
0x18: {  	[sflag:s13] =	ssyncadd.s32 $0xFFFEA400  }
0x19: {  	[hbm4b:s7+s14] =	stream.strided.scatter [tilespmem:s12], [sflag:$0x2], $0x15C00, s15, s14, $0x38;
	[tilespmem:$0x1A080] =	vst v63  }
0x1a: {  	_ =	swait.ge [sflag:s9], $0x15C00  }
0x1b: {  	[sflag:s9] =	ssyncset.done $0x0  }
0x1c: {  	[sflag:s9] =	ssyncadd.s32 $0xFFFEA400  }
.LBB2_8:
0x1d: {  	s2 =	sadd.s32 $0x1, s2  }
0x1e: {  	p1 =	sne.s32 s2, s8  }
.Ltmp1:
0x1f: {  	_ = 	snop;
	(pc) =	sbr.rel @!p1 .LBB2_9-.Ltmp1, $1  }
0x20: {  	_ =	sdelay $0x3  }
.LBB2_1:
.Ltmp2:
0x21: {  	(pc) =	sbr.rel @!p0 .LBB2_2-.Ltmp2, $2  }
0x22: {  	_ =	sdelay $0x2  }
0x23: {  	s16 =	simm.s32 $0x0  }
0x24: {  	[tilespmem:s16], [sflag:$0x2] =	stream.linear.gather [hbm4b:s6+s16], $0xAE0, $0x38;
	[tilespmem:$0x1A080] =	vst v63  }
0x25: {  	_ =	swait.ge [sflag:s9], $0xAE0  }
0x26: {  	[sflag:s9] =	ssyncset.done $0x0  }
0x27: {  	s16 =	simm.s32 $0x0;
	[sflag:s9] =	ssyncadd.s32 $0xFFFFF520  }
0x28: {  	v0 =	vld [tilespmem:s16+$0x0];
	_ =	sdelay $0x2  }
0x29: {  	s17 =	simm.s32 $0x40  }
.LBB2_6:
0x2a: {  	p1 =	sne.s32 s17, $0x2B40  }
.Ltmp3:
0x2b: {  	s18 =	sshra.s32 s17, $0x2;
	s17 =	sadd.s32 $0x40, s17;
	v1 =	vshll.u32 v0, $0x2;
	(pc) =	sbr.rel @p1 .LBB2_6-.Ltmp3, $4  }
0x2c: {  	v2 =	vand.u32 $0xFFFFC000, v0;
	v3 =	vshrl.u32 v0, $0xC;
	v1 =	vand.u32 $0x3FFC, v1;
	v0 =	vld [tilespmem:s18+$0x0]  }
0x2d: {  	v1 =	vor.u32 v2, v1;
	v2 =	vand.u32 $0x3, v3  }
0x2e: {  	v1 =	vor.u32 v2, v1  }
0x2f: {  	[tilespmem:s16+$0xC40] =	vst v1;
	s16 =	smov.u32 s18  }
.Ltmp4:
0x30: {  	_ = 	snop;
	(pc) =	sbr.rel .LBB2_7-.Ltmp4, $1  }
0x31: {  	_ =	sdelay $0x3  }
.LBB2_2:
0x32: {  	[tilespmem:s16], [sflag:$0x2] =	stream.linear.gather [hbm4b:s4+s16], $0xC40, $0x38;
	[tilespmem:$0x1A080] =	vst v63  }
0x33: {  	_ =	swait.ge [sflag:s9], $0xC40  }
0x34: {  	[sflag:s9] =	ssyncset.done $0x0  }
0x35: {  	s16 =	simm.s32 $0x0;
	[sflag:s9] =	ssyncadd.s32 $0xFFFFF3C0  }
0x36: {  	v0 =	vld [tilespmem:s16+$0x0];
	_ =	sdelay $0x2  }
0x37: {  	s17 =	simm.s32 $0x40  }
.LBB2_3:
0x38: {  	p1 =	sne.s32 s17, $0x30C0  }
.Ltmp5:
0x39: {  	s18 =	sshra.s32 s17, $0x2;
	s17 =	sadd.s32 $0x40, s17;
	v1 =	vshll.u32 v0, $0x2;
	(pc) =	sbr.rel @p1 .LBB2_3-.Ltmp5, $4  }
0x3a: {  	v2 =	vand.u32 $0xFFFFC000, v0;
	v3 =	vshrl.u32 v0, $0xC;
	v1 =	vand.u32 $0x3FFC, v1;
	v0 =	vld [tilespmem:s18+$0x0]  }
0x3b: {  	v1 =	vor.u32 v2, v1;
	v2 =	vand.u32 $0x3, v3  }
0x3c: {  	v1 =	vor.u32 v2, v1  }
0x3d: {  	[tilespmem:s16+$0xC40] =	vst v1;
	s16 =	smov.u32 s18  }
0x3e: {  	_ = 	snop  }
0x3f: {  	v1 =	vshll.u32 v0, $0x2  }
0x40: {  	v2 =	vand.u32 $0xFFFFC000, v0;
	v63 =	vshrl.u32 v0, $0xC;
	v1 =	vand.u32 $0x3FFC, v1  }
0x41: {  	v0 =	vand.u32 $0x3, v63;
	v1 =	vor.u32 v2, v1  }
0x42: {  	v0 =	vor.u32 v0, v1  }
0x43: {  	[tilespmem:s16+$0xC40] =	vst v0  }
0x44: {  	[tilespmem:s12], [sflag:$0x1] =	stream.indirect.gather [hbm4b:s3+s11], $0x20, s11, s11, $0xb8;
	[tilespmem:$0x1A080] =	vst v63  }
0x45: {  	_ =	swait.ge [sflag:s13], $0x18800  }
0x46: {  	[sflag:s13] =	ssyncset.done $0x0  }
.Ltmp6:
0x47: {  	[sflag:s13] =	ssyncadd.s32 $0xFFFE7800;
	(pc) =	sbr.rel .LBB2_8-.Ltmp6, $4  }
0x48: {  	[hbm4b:s5+s14] =	stream.strided.scatter [tilespmem:s12], [sflag:$0x2], $0x18800, s15, s14, $0x38;
	[tilespmem:$0x1A080] =	vst v63  }
0x49: {  	_ =	swait.ge [sflag:s9], $0x18800  }
0x4a: {  	[sflag:s9] =	ssyncset.done $0x0  }
0x4b: {  	[sflag:s9] =	ssyncadd.s32 $0xFFFE7800  }
.LBB2_9:
0x4c: {  	_ =	sfence.sel $0x180000  }
0x4d: {  	[bflag:$0x0] =	sbarrier.arrive $0xFFFF  }
0x4e: {  	p0 =	sne.s32 s1, $0x0;
	_ =	strace $0x90000047  }
0x4f: {  	s0 =	sadd.s32 @!p0 $0x100000, s0;
	[bflag:$0x2] =	sbarrier.arrive $0xFFFF  }
0x50: {  	[sflag:s0] =	ssyncadd.tile.s32 @!p0 $0x1;
	_ =	shalt  }
.Lfunc_end2:
_tile_overlayer_lowered:
.L_overlay_start_2:
0x51: {  	(tag) =	ssettag $0x2  }
0x52: {  	s0 =	rddreg [dreg:$0x0];
	s2 =	stileid.u32  }
0x53: {  	s1 =	rddreg [dreg:$0x1];
	p0 =	sne.s32 s2, $0x0  }
0x54: {  	s3 =	rddreg [dreg:$0x2];
	[bflag:$0x3] =	sbarrier.arrive $0xFFFF;
	s2 =	simm.s32 @!p0 $0x1C02  }
0x55: {  	[timem:s3], [sflag:s2] =	dma.local @!p0 [hbm:s0], s1  }
0x56: {  	s0 =	simm.s32 @!p0 $0x2  }
0x57: {  	_ =	swait.ge @!p0 [sflag:s0], s1  }
0x58: {  	s1 =	ssub.s32 @!p0 $0x0, s1;
	[sflag:s0] =	ssyncset.done @!p0 $0x0  }
0x59: {  	[sflag:s0] =	ssyncadd.s32 @!p0 s1  }
0x5a: {  	[bflag:$0x3] =	sbarrier.arrive $0xFFFF  }
0x5b: {  	_ =	shalt  }

</sc_bundles>
